<compile_context>
chip_gen: v7x
topology: tpu7x:2x2x1
jax: 0.10.2.dev20260603
libtpu: 0.0.44.dev20260713+nightly
codegen_flags: <defaults>
</compile_context>

<pallas_src>
import functools

import jax
import jax.numpy as jnp
from jax import lax
from jax.experimental import pallas as pl
from jax.experimental.pallas import tpu as pltpu
from jax.experimental.pallas import tpu_sc as plsc

BATCH = 16384
_INFO = plsc.get_sparse_core_info()
_NC, _NS, _L = _INFO.num_cores, _INFO.num_subcores, _INFO.num_lanes
_NW = _NC * _NS
_BPW = BATCH // _NW

_MESH = plsc.VectorSubcoreMesh(core_axis_name="c", subcore_axis_name="s")


@functools.partial(
    pl.kernel,
    mesh=_MESH,
    out_type=jax.ShapeDtypeStruct((BATCH,), jnp.float32),
    scratch_types=[
        pltpu.VMEM((_BPW,), jnp.int32),
        pltpu.VMEM((_BPW,), jnp.int32),
        pltpu.VMEM((_BPW,), jnp.float32),
        pltpu.VMEM((_BPW,), jnp.float32),
        pltpu.VMEM((_BPW,), jnp.float32),
        pltpu.SemaphoreType.DMA,
        pltpu.SemaphoreType.DMA,
    ],
)
def _sc_sigmoid_lookup(row_hbm, col_hbm, ability_hbm, difficulty_hbm,
                       out_hbm, ridx_v, cidx_v, g_v, h_v, o_v, sem_g, sem_h):
    wid = lax.axis_index("s") * _NC + lax.axis_index("c")
    base = wid * _BPW
    cp_r = pltpu.async_copy(row_hbm.at[pl.ds(base, _BPW)], ridx_v, sem_g)
    cp_c = pltpu.async_copy(col_hbm.at[pl.ds(base, _BPW)], cidx_v, sem_h)
    cp_r.wait()
    cp_c.wait()
    cp_g = pltpu.async_copy(ability_hbm.at[ridx_v], g_v, sem_g)
    cp_h = pltpu.async_copy(difficulty_hbm.at[cidx_v], h_v, sem_h)
    cp_g.wait()
    cp_h.wait()

    def _body(i, carry):
        sl = pl.ds(i * _L, _L)
        x = g_v[sl] - h_v[sl]
        o_v[sl] = 1.0 / (1.0 + jnp.exp(-x))
        return carry

    lax.fori_loop(0, _BPW // _L, _body, 0, unroll=4)
    pltpu.sync_copy(o_v, out_hbm.at[pl.ds(base, _BPW)])


def kernel(row_idx, col_idx, ability, difficulty):
    return _sc_sigmoid_lookup(
        row_idx.astype(jnp.int32),
        col_idx.astype(jnp.int32),
        ability[:, 0],
        difficulty[:, 0],
    )

# --- scband reference (transcript-rebuilt; emitter-appended) ---
"""Pipeline reference for scband-sigmoid-ability-difficulty-37185826849255 (READ-ONLY COPY).

The authoritative reference and input builder live on the scoring server;
editing this copy changes nothing except your own understanding.
"""

import jax, jax.numpy as jnp
import numpy as np

N_ROWS = 1000000
N_COLS = 100000
BATCH = 16384


def setup_inputs(seed: int = 0) -> dict:
    key = jax.random.key(seed)
    k1, k2, k3, k4 = jax.random.split(key, 4)
    row_idx = jax.random.randint(k1, (BATCH,), 0, N_ROWS, dtype=jnp.int64 if jax.config.jax_enable_x64 else jnp.int32)
    col_idx = jax.random.randint(k2, (BATCH,), 0, N_COLS, dtype=jnp.int64 if jax.config.jax_enable_x64 else jnp.int32)
    ability = jax.random.normal(k3, (N_ROWS, 1), dtype=jnp.float32) * 0.15
    difficulty = jax.random.normal(k4, (N_COLS, 1), dtype=jnp.float32) * 0.15
    return {"row_idx": row_idx, "col_idx": col_idx, "ability": ability, "difficulty": difficulty}


def reference(row_idx, col_idx, ability, difficulty):
    # g(model) = ability embedding lookup, h(benchmark) = difficulty embedding lookup
    g = jnp.take(ability, row_idx, axis=0)[:, 0]
    h = jnp.take(difficulty, col_idx, axis=0)[:, 0]
    return jax.nn.sigmoid(g - h)

if __name__ == "__main__":
    import jax
    _d = setup_inputs()
    print(jax.jit(kernel)(*tuple(_d.values())))

</pallas_src>

<mosaic_0001>
#map = affine_map<(d0, d1) -> (0)>
module attributes {stable_mosaic.version = 14 : i64} {
  func.func @_sc_sigmoid_lookup(%arg0: i32, %arg1: i32, %arg2: memref<16384xi32, #tpu.memory_space<hbm>>, %arg3: memref<16384xi32, #tpu.memory_space<hbm>>, %arg4: memref<1000000xf32, #tpu.memory_space<hbm>>, %arg5: memref<100000xf32, #tpu.memory_space<hbm>>, %arg6: memref<16384xf32, #tpu.memory_space<hbm>>, %arg7: memref<512xi32, #tpu.memory_space<vmem>>, %arg8: memref<512xi32, #tpu.memory_space<vmem>>, %arg9: memref<512xf32, #tpu.memory_space<vmem>>, %arg10: memref<512xf32, #tpu.memory_space<vmem>>, %arg11: memref<512xf32, #tpu.memory_space<vmem>>, %arg12: memref<!tpu.dma_semaphore, #tpu.memory_space<semaphore_mem>>, %arg13: memref<!tpu.dma_semaphore, #tpu.memory_space<semaphore_mem>>) attributes {dimension_semantics = [#tpu.dimension_semantics<core_parallel>, #tpu.dimension_semantics<subcore_parallel>], iteration_bounds = array<i64: 2, 16>, scalar_prefetch = 0 : i64, scratch_operands = 7 : i64, tpu.core_type = #tpu.core_type<sc_vector_subcore>, window_params = [{transform_indices = #map}, {transform_indices = #map}, {transform_indices = #map}, {transform_indices = #map}, {transform_indices = #map}]} {
    %mul3A = arith.constant 2 : i32
    %mul3A_0 = arith.muli %arg1, %mul3A : i32
    %add3A = arith.addi %mul3A_0, %arg0 : i32
    %mul3A_1 = arith.constant 512 : i32
    %mul3A_2 = arith.muli %add3A, %mul3A_1 : i32
    %dma_start3A = tpu.memref_slice %arg2[%mul3A_2] : memref<16384xi32, #tpu.memory_space<hbm>> -> memref<512xi32, #tpu.memory_space<hbm>>
    %dma_start3A_3 = tpu.memref_slice %arg2[%mul3A_2] : memref<16384xi32, #tpu.memory_space<hbm>> -> memref<512xi32, #tpu.memory_space<hbm>>
    tpu.enqueue_dma source(%dma_start3A_3 : memref<512xi32, #tpu.memory_space<hbm>>) target(%arg7 : memref<512xi32, #tpu.memory_space<vmem>>) target_semaphore(%arg12 : memref<!tpu.dma_semaphore, #tpu.memory_space<semaphore_mem>>)
    %dma_start3A_4 = tpu.memref_slice %arg3[%mul3A_2] : memref<16384xi32, #tpu.memory_space<hbm>> -> memref<512xi32, #tpu.memory_space<hbm>>
    %dma_start3A_5 = tpu.memref_slice %arg3[%mul3A_2] : memref<16384xi32, #tpu.memory_space<hbm>> -> memref<512xi32, #tpu.memory_space<hbm>>
    tpu.enqueue_dma source(%dma_start3A_5 : memref<512xi32, #tpu.memory_space<hbm>>) target(%arg8 : memref<512xi32, #tpu.memory_space<vmem>>) target_semaphore(%arg13 : memref<!tpu.dma_semaphore, #tpu.memory_space<semaphore_mem>>)
    %dma_wait3A = tpu.memref_slice %arg2[%mul3A_2] : memref<16384xi32, #tpu.memory_space<hbm>> -> memref<512xi32, #tpu.memory_space<hbm>>
    %dma_wait3A_6 = tpu.memref_slice %arg2[%mul3A_2] : memref<16384xi32, #tpu.memory_space<hbm>> -> memref<512xi32, #tpu.memory_space<hbm>>
    tpu.wait_dma2 semaphore(%arg12 : memref<!tpu.dma_semaphore, #tpu.memory_space<semaphore_mem>>) src(%dma_wait3A_6 : memref<512xi32, #tpu.memory_space<hbm>>) dst(%arg7 : memref<512xi32, #tpu.memory_space<vmem>>)
    %dma_wait3A_7 = tpu.memref_slice %arg3[%mul3A_2] : memref<16384xi32, #tpu.memory_space<hbm>> -> memref<512xi32, #tpu.memory_space<hbm>>
    %dma_wait3A_8 = tpu.memref_slice %arg3[%mul3A_2] : memref<16384xi32, #tpu.memory_space<hbm>> -> memref<512xi32, #tpu.memory_space<hbm>>
    tpu.wait_dma2 semaphore(%arg13 : memref<!tpu.dma_semaphore, #tpu.memory_space<semaphore_mem>>) src(%dma_wait3A_8 : memref<512xi32, #tpu.memory_space<hbm>>) dst(%arg8 : memref<512xi32, #tpu.memory_space<vmem>>)
    %dma_start3A_9 = arith.constant 0 : i32
    %dma_start3A_10 = tpu.memref_slice %arg4[%dma_start3A_9] : memref<1000000xf32, #tpu.memory_space<hbm>> -> memref<1000000xf32, #tpu.memory_space<hbm>>
    tpu.enqueue_indirect_dma source(%dma_start3A_10 : memref<1000000xf32, #tpu.memory_space<hbm>>) target(%arg9 : memref<512xf32, #tpu.memory_space<vmem>>) offsets(%arg7 : memref<512xi32, #tpu.memory_space<vmem>>) semaphore(%arg12 : memref<!tpu.dma_semaphore, #tpu.memory_space<semaphore_mem>>)
    %dma_start3A_11 = arith.constant 0 : i32
    %dma_start3A_12 = tpu.memref_slice %arg5[%dma_start3A_11] : memref<100000xf32, #tpu.memory_space<hbm>> -> memref<100000xf32, #tpu.memory_space<hbm>>
    tpu.enqueue_indirect_dma source(%dma_start3A_12 : memref<100000xf32, #tpu.memory_space<hbm>>) target(%arg10 : memref<512xf32, #tpu.memory_space<vmem>>) offsets(%arg8 : memref<512xi32, #tpu.memory_space<vmem>>) semaphore(%arg13 : memref<!tpu.dma_semaphore, #tpu.memory_space<semaphore_mem>>)
    %dma_wait3A_13 = arith.constant 0 : i32
    %dma_wait3A_14 = tpu.memref_slice %arg4[%dma_wait3A_13] : memref<1000000xf32, #tpu.memory_space<hbm>> -> memref<1000000xf32, #tpu.memory_space<hbm>>
    tpu.wait_indirect_dma semaphore(%arg12 : memref<!tpu.dma_semaphore, #tpu.memory_space<semaphore_mem>>) src(%dma_wait3A_14 : memref<1000000xf32, #tpu.memory_space<hbm>>) dst(%arg9 : memref<512xf32, #tpu.memory_space<vmem>>)
    %dma_wait3A_15 = arith.constant 0 : i32
    %dma_wait3A_16 = tpu.memref_slice %arg5[%dma_wait3A_15] : memref<100000xf32, #tpu.memory_space<hbm>> -> memref<100000xf32, #tpu.memory_space<hbm>>
    tpu.wait_indirect_dma semaphore(%arg13 : memref<!tpu.dma_semaphore, #tpu.memory_space<semaphore_mem>>) src(%dma_wait3A_16 : memref<100000xf32, #tpu.memory_space<hbm>>) dst(%arg10 : memref<512xf32, #tpu.memory_space<vmem>>)
    %scan3A = arith.constant 0 : i32
    %scan3A_17 = arith.constant 0 : i32
    %scan3A_18 = arith.constant 32 : i32
    %scan3A_19 = arith.addi %scan3A_17, %scan3A_18 : i32
    %scan3A_20 = arith.constant 4 : i32
    scf.for %scan3A_22 = %scan3A_17 to %scan3A_19 step %scan3A_20  : i32 {
      %mul3A_23 = arith.constant 16 : i32
      %mul3A_24 = arith.muli %scan3A_22, %mul3A_23 : i32
      %get3A = arith.index_cast %mul3A_24 : i32 to index
      %get3A_25 = tpu.vector_load %arg9[%get3A] {strides = array<i32>} : memref<512xf32, #tpu.memory_space<vmem>>, vector<16xf32>,
      %get3A_26 = vector.shape_cast %get3A_25 : vector<16xf32> to vector<16xf32>
      %get3A_27 = arith.index_cast %mul3A_24 : i32 to index
      %get3A_28 = tpu.vector_load %arg10[%get3A_27] {strides = array<i32>} : memref<512xf32, #tpu.memory_space<vmem>>, vector<16xf32>,
      %get3A_29 = vector.shape_cast %get3A_28 : vector<16xf32> to vector<16xf32>
      %sub3A = arith.subf %get3A_26, %get3A_29 : vector<16xf32>
      %neg3A = arith.constant 0.000000e+00 : f32
      %neg3A_30 = vector.broadcast %neg3A : f32 to vector<16xf32>
      %neg3A_31 = arith.subf %neg3A_30, %sub3A : vector<16xf32>
      %exp3A = math.exp %neg3A_31 : vector<16xf32>
      %add3A_32 = arith.constant 1.000000e+00 : f32
      %add3A_33 = vector.broadcast %add3A_32 : f32 to vector<16xf32>
      %add3A_34 = arith.addf %add3A_33, %exp3A : vector<16xf32>
      %div3A = arith.constant 1.000000e+00 : f32
      %div3A_35 = vector.broadcast %div3A : f32 to vector<16xf32>
      %div3A_36 = arith.divf %div3A_35, %add3A_34 : vector<16xf32>
      %swap3A = arith.index_cast %mul3A_24 : i32 to index
      %swap3A_37 = tpu.vector_load %arg11[%swap3A] {strides = array<i32>} : memref<512xf32, #tpu.memory_space<vmem>>, vector<16xf32>,
      %swap3A_38 = vector.shape_cast %swap3A_37 : vector<16xf32> to vector<16xf32>
      %swap3A_39 = vector.shape_cast %div3A_36 : vector<16xf32> to vector<16xf32>
      tpu.vector_store %arg11[%swap3A], %swap3A_39 {strides = array<i32>} : memref<512xf32, #tpu.memory_space<vmem>>, vector<16xf32>,
      %scan3A_40 = arith.constant 1 : i32
      %scan3A_41 = arith.addi %scan3A_22, %scan3A_40 : i32
      %mul3A_42 = arith.constant 16 : i32
      %mul3A_43 = arith.muli %scan3A_41, %mul3A_42 : i32
      %get3A_44 = arith.index_cast %mul3A_43 : i32 to index
      %get3A_45 = tpu.vector_load %arg9[%get3A_44] {strides = array<i32>} : memref<512xf32, #tpu.memory_space<vmem>>, vector<16xf32>,
      %get3A_46 = vector.shape_cast %get3A_45 : vector<16xf32> to vector<16xf32>
      %get3A_47 = arith.index_cast %mul3A_43 : i32 to index
      %get3A_48 = tpu.vector_load %arg10[%get3A_47] {strides = array<i32>} : memref<512xf32, #tpu.memory_space<vmem>>, vector<16xf32>,
      %get3A_49 = vector.shape_cast %get3A_48 : vector<16xf32> to vector<16xf32>
      %sub3A_50 = arith.subf %get3A_46, %get3A_49 : vector<16xf32>
      %neg3A_51 = arith.constant 0.000000e+00 : f32
      %neg3A_52 = vector.broadcast %neg3A_51 : f32 to vector<16xf32>
      %neg3A_53 = arith.subf %neg3A_52, %sub3A_50 : vector<16xf32>
      %exp3A_54 = math.exp %neg3A_53 : vector<16xf32>
      %add3A_55 = arith.constant 1.000000e+00 : f32
      %add3A_56 = vector.broadcast %add3A_55 : f32 to vector<16xf32>
      %add3A_57 = arith.addf %add3A_56, %exp3A_54 : vector<16xf32>
      %div3A_58 = arith.constant 1.000000e+00 : f32
      %div3A_59 = vector.broadcast %div3A_58 : f32 to vector<16xf32>
      %div3A_60 = arith.divf %div3A_59, %add3A_57 : vector<16xf32>
      %swap3A_61 = arith.index_cast %mul3A_43 : i32 to index
      %swap3A_62 = tpu.vector_load %arg11[%swap3A_61] {strides = array<i32>} : memref<512xf32, #tpu.memory_space<vmem>>, vector<16xf32>,
      %swap3A_63 = vector.shape_cast %swap3A_62 : vector<16xf32> to vector<16xf32>
      %swap3A_64 = vector.shape_cast %div3A_60 : vector<16xf32> to vector<16xf32>
      tpu.vector_store %arg11[%swap3A_61], %swap3A_64 {strides = array<i32>} : memref<512xf32, #tpu.memory_space<vmem>>, vector<16xf32>,
      %scan3A_65 = arith.constant 2 : i32
      %scan3A_66 = arith.addi %scan3A_22, %scan3A_65 : i32
      %mul3A_67 = arith.constant 16 : i32
      %mul3A_68 = arith.muli %scan3A_66, %mul3A_67 : i32
      %get3A_69 = arith.index_cast %mul3A_68 : i32 to index
      %get3A_70 = tpu.vector_load %arg9[%get3A_69] {strides = array<i32>} : memref<512xf32, #tpu.memory_space<vmem>>, vector<16xf32>,
      %get3A_71 = vector.shape_cast %get3A_70 : vector<16xf32> to vector<16xf32>
      %get3A_72 = arith.index_cast %mul3A_68 : i32 to index
      %get3A_73 = tpu.vector_load %arg10[%get3A_72] {strides = array<i32>} : memref<512xf32, #tpu.memory_space<vmem>>, vector<16xf32>,
      %get3A_74 = vector.shape_cast %get3A_73 : vector<16xf32> to vector<16xf32>
      %sub3A_75 = arith.subf %get3A_71, %get3A_74 : vector<16xf32>
      %neg3A_76 = arith.constant 0.000000e+00 : f32
      %neg3A_77 = vector.broadcast %neg3A_76 : f32 to vector<16xf32>
      %neg3A_78 = arith.subf %neg3A_77, %sub3A_75 : vector<16xf32>
      %exp3A_79 = math.exp %neg3A_78 : vector<16xf32>
      %add3A_80 = arith.constant 1.000000e+00 : f32
      %add3A_81 = vector.broadcast %add3A_80 : f32 to vector<16xf32>
      %add3A_82 = arith.addf %add3A_81, %exp3A_79 : vector<16xf32>
      %div3A_83 = arith.constant 1.000000e+00 : f32
      %div3A_84 = vector.broadcast %div3A_83 : f32 to vector<16xf32>
      %div3A_85 = arith.divf %div3A_84, %add3A_82 : vector<16xf32>
      %swap3A_86 = arith.index_cast %mul3A_68 : i32 to index
      %swap3A_87 = tpu.vector_load %arg11[%swap3A_86] {strides = array<i32>} : memref<512xf32, #tpu.memory_space<vmem>>, vector<16xf32>,
      %swap3A_88 = vector.shape_cast %swap3A_87 : vector<16xf32> to vector<16xf32>
      %swap3A_89 = vector.shape_cast %div3A_85 : vector<16xf32> to vector<16xf32>
      tpu.vector_store %arg11[%swap3A_86], %swap3A_89 {strides = array<i32>} : memref<512xf32, #tpu.memory_space<vmem>>, vector<16xf32>,
      %scan3A_90 = arith.constant 3 : i32
      %scan3A_91 = arith.addi %scan3A_22, %scan3A_90 : i32
      %mul3A_92 = arith.constant 16 : i32
      %mul3A_93 = arith.muli %scan3A_91, %mul3A_92 : i32
      %get3A_94 = arith.index_cast %mul3A_93 : i32 to index
      %get3A_95 = tpu.vector_load %arg9[%get3A_94] {strides = array<i32>} : memref<512xf32, #tpu.memory_space<vmem>>, vector<16xf32>,
      %get3A_96 = vector.shape_cast %get3A_95 : vector<16xf32> to vector<16xf32>
      %get3A_97 = arith.index_cast %mul3A_93 : i32 to index
      %get3A_98 = tpu.vector_load %arg10[%get3A_97] {strides = array<i32>} : memref<512xf32, #tpu.memory_space<vmem>>, vector<16xf32>,
      %get3A_99 = vector.shape_cast %get3A_98 : vector<16xf32> to vector<16xf32>
      %sub3A_100 = arith.subf %get3A_96, %get3A_99 : vector<16xf32>
      %neg3A_101 = arith.constant 0.000000e+00 : f32
      %neg3A_102 = vector.broadcast %neg3A_101 : f32 to vector<16xf32>
      %neg3A_103 = arith.subf %neg3A_102, %sub3A_100 : vector<16xf32>
      %exp3A_104 = math.exp %neg3A_103 : vector<16xf32>
      %add3A_105 = arith.constant 1.000000e+00 : f32
      %add3A_106 = vector.broadcast %add3A_105 : f32 to vector<16xf32>
      %add3A_107 = arith.addf %add3A_106, %exp3A_104 : vector<16xf32>
      %div3A_108 = arith.constant 1.000000e+00 : f32
      %div3A_109 = vector.broadcast %div3A_108 : f32 to vector<16xf32>
      %div3A_110 = arith.divf %div3A_109, %add3A_107 : vector<16xf32>
      %swap3A_111 = arith.index_cast %mul3A_93 : i32 to index
      %swap3A_112 = tpu.vector_load %arg11[%swap3A_111] {strides = array<i32>} : memref<512xf32, #tpu.memory_space<vmem>>, vector<16xf32>,
      %swap3A_113 = vector.shape_cast %swap3A_112 : vector<16xf32> to vector<16xf32>
      %swap3A_114 = vector.shape_cast %div3A_110 : vector<16xf32> to vector<16xf32>
      tpu.vector_store %arg11[%swap3A_111], %swap3A_114 {strides = array<i32>} : memref<512xf32, #tpu.memory_space<vmem>>, vector<16xf32>,
    }
    %scan3A_21 = arith.constant 32 : i32
    "tpu.region"() ({
      %run_scoped3A = tpu.sem_alloc : memref<!tpu.dma_semaphore, #tpu.memory_space<semaphore_mem>>
      %dma_start3A_22 = tpu.memref_slice %arg6[%mul3A_2] : memref<16384xf32, #tpu.memory_space<hbm>> -> memref<512xf32, #tpu.memory_space<hbm>>
      %dma_start3A_23 = tpu.memref_slice %arg6[%mul3A_2] : memref<16384xf32, #tpu.memory_space<hbm>> -> memref<512xf32, #tpu.memory_space<hbm>>
      tpu.enqueue_dma source(%arg11 : memref<512xf32, #tpu.memory_space<vmem>>) target(%dma_start3A_23 : memref<512xf32, #tpu.memory_space<hbm>>) target_semaphore(%run_scoped3A : memref<!tpu.dma_semaphore, #tpu.memory_space<semaphore_mem>>)
      %dma_wait3A_24 = tpu.memref_slice %arg6[%mul3A_2] : memref<16384xf32, #tpu.memory_space<hbm>> -> memref<512xf32, #tpu.memory_space<hbm>>
      %dma_wait3A_25 = tpu.memref_slice %arg6[%mul3A_2] : memref<16384xf32, #tpu.memory_space<hbm>> -> memref<512xf32, #tpu.memory_space<hbm>>
      tpu.wait_dma2 semaphore(%run_scoped3A : memref<!tpu.dma_semaphore, #tpu.memory_space<semaphore_mem>>) src(%arg11 : memref<512xf32, #tpu.memory_space<vmem>>) dst(%dma_wait3A_25 : memref<512xf32, #tpu.memory_space<hbm>>)
      tpu.yield
    }) : () -> ()
    return
  }
}

</mosaic_0001>

<sc_bundles>
// kernel: kernel.3.cloned.1.call-start
scs
__scs_entry_jumppad:
0x0: {  	(pc) =	sbr.rel $0x88, $3  }
0x1: {  	(tag) =	ssettag $0x0;
	lr =	simm.s32 $0x1  }
0x2: {  	[smem:$0x3F9D] =	sst lr;
	_ =	strace $0xD0000000  }
0x3: {  	_ = 	snop  }
0x4: {  	_ = 	snop  }
0x5: {  	_ = 	snop  }
0x6: {  	_ = 	snop  }
0x7: {  	_ = 	snop  }
__scs_overlays_trampoline_lowered:
0x8: {  	[smem:$0x3FAC] =	sst s0  }
0x9: {  	[smem:$0x3FAD] =	sst s1  }
0xa: {  	[smem:$0x3FAE] =	sst s2  }
0xb: {  	[smem:$0x3FAF] =	sst s3  }
0xc: {  	[smem:$0x3FB0] =	sst s4  }
0xd: {  	[smem:$0x3FB1] =	sst s5  }
0xe: {  	[smem:$0x3FB2] =	sst s6  }
0xf: {  	[smem:$0x3FB3] =	sst s7  }
0x10: {  	[smem:$0x3FB4] =	sst s8  }
0x11: {  	[smem:$0x3FB5] =	sst s9;
	s0 =	simm.s32 @!p0 $0x0  }
0x12: {  	s1 =	sld [smem:$0x3F9B];
	s0 =	simm.s32 @p0 $0x1  }
0x13: {  	[smem:$0x3FB6] =	sst s0;
	s0 =	simm.s32 @!p1 $0x0  }
0x14: {  	s2 =	sld [smem:$0x3F9A];
	s0 =	simm.s32 @p1 $0x1  }
0x15: {  	[smem:$0x3FB7] =	sst s0;
	s0 =	simm.s32 @!p2 $0x0  }
0x16: {  	s3 =	sld [smem:$0x3FDB];
	s0 =	simm.s32 @p2 $0x1  }
0x17: {  	s4 =	simm.s32 $0x1BF5;
	[smem:$0x3FB9] =	sst s0  }
0x18: {  	s0 =	sld [smem:$0x3F9C];
	_ =	swait.ge [sflag:s4], $0x0  }
0x19: {  	s7 =	sld [smem:$0x3F9D]  }
0x1a: {  	s8 =	sadd.s32 $0xFFFFE003, lr  }
0x1b: {  	s9 =	sadd.s32 $0xFFFFFEF7, lr;
	s5 =	simm.s32 $0xFFFFFFFF;
	p2 =	slt.u32 s8, $0xFFFFF086  }
0x1c: {  	p1 =	slt.u32 s9, $0xF7A;
	s5 =	simm.s32 @!p2 $0x0  }
0x1d: {  	s5 =	simm.s32 @p1 $0x1;
	p0 =	seq.s32 s7, s2  }
0x1e: {  	s7 =	smul.u32 @!p0 $0xF7A, s2;
	p2 =	seq.s32 @!p0 s5, $0x0  }
0x1f: {  	s9 =	smul.u32 $0xF7A, s1;
	s8 =	simm.s32 @!p0 $0x1BF5;
	p2 =	por !p2, p0  }
0x20: {  	[sflag:s8] =	ssyncset.s32 @!p0 $0xFFFFF086;
	s6 =	sadd.s32 @!p0 s3, s7;
	s7 =	simm.s32 @!p0 $0x108  }
0x21: {  	s3 =	sadd.s32 s3, s9;
	s6 =	sadd.s32 @!p0 $0x88, s6;
	s7 =	simm.s32 @p2 $0x1082  }
0x22: {  	[simem:s7], [sflag:s8] =	dma.local @!p0 [hbm:s6], $0xF7A  }
0x23: {  	s9 =	sor.u32 $0xD0000000, s2;
	s6 =	simm.s32 $0x108;
	_ =	swait.ge @!p0 [sflag:s8], $0x0  }
0x24: {  	s3 =	sadd.s32 $0x88, s3;
	s6 =	simm.s32 @!p1 $0x1082;
	[sflag:s4] =	ssyncset.s32 $0xFFFFF086  }
0x25: {  	[simem:s6], [sflag:s4] =	dma.local [hbm:s3], $0xF7A  }
0x26: {  	[smem:$0x3F9D] =	sst s1;
	(tag) =	ssettag s2;
	_ =	strace s9  }
0x27: {  	s1 =	sld [smem:$0x3FAD]  }
0x28: {  	s2 =	sld [smem:$0x3FAE]  }
0x29: {  	s4 =	sld [smem:$0x3FB0]  }
0x2a: {  	p0 =	seq.s32 s5, $0x0;
	s5 =	sld [smem:$0x3FB1]  }
0x2b: {  	s6 =	sld [smem:$0x3FB2]  }
0x2c: {  	s7 =	sld [smem:$0x3FB3]  }
0x2d: {  	s3 =	simm.s32 $0x108;
	s8 =	sld [smem:$0x3FB4]  }
0x2e: {  	s3 =	simm.s32 @!p0 $0x1082;
	s9 =	sld [smem:$0x3FB5]  }
0x2f: {  	lr =	sadd.s32 s0, s3;
	s0 =	sld [smem:$0x3FAC]  }
0x30: {  	s3 =	sld [smem:$0x3FAF]  }
0x31: {  	[smem:$0x3FB8] =	sst s10  }
0x32: {  	s10 =	sld [smem:$0x3FB6];
	_ =	sdelay $0x3  }
0x33: {  	p0 =	seq.s32 s10, $0x1;
	s10 =	sld [smem:$0x3FB8];
	_ =	sdelay $0x3  }
0x34: {  	[smem:$0x3FB8] =	sst s10  }
0x35: {  	s10 =	sld [smem:$0x3FB7];
	_ =	sdelay $0x3  }
0x36: {  	p1 =	seq.s32 s10, $0x1;
	s10 =	sld [smem:$0x3FB8];
	_ =	sdelay $0x3  }
0x37: {  	[smem:$0x3FB8] =	sst s10  }
0x38: {  	s10 =	sld [smem:$0x3FB9]  }
0x39: {  	_ = 	snop;
	(pc) =	sbr.ind lr, $3  }
0x3a: {  	_ = 	snop  }
0x3b: {  	_ = 	snop  }
0x3c: {  	p2 =	seq.s32 s10, $0x1;
	s10 =	sld [smem:$0x3FB8]  }
0x3d: {  	_ =	shalt  }
0x3e: {  	_ =	shalt  }
0x3f: {  	_ =	shalt  }
0x40: {  	_ =	shalt  }
0x41: {  	_ =	shalt  }
0x42: {  	_ =	shalt  }
0x43: {  	_ =	shalt  }
0x44: {  	_ =	shalt  }
0x45: {  	_ =	shalt  }
0x46: {  	_ =	shalt  }
0x47: {  	_ =	shalt  }
0x48: {  	_ =	shalt  }
0x49: {  	_ =	shalt  }
0x4a: {  	_ =	shalt  }
0x4b: {  	_ =	shalt  }
0x4c: {  	_ =	shalt  }
0x4d: {  	_ =	shalt  }
0x4e: {  	_ =	shalt  }
0x4f: {  	_ =	shalt  }
0x50: {  	_ =	shalt  }
0x51: {  	_ =	shalt  }
0x52: {  	_ =	shalt  }
0x53: {  	_ =	shalt  }
0x54: {  	_ =	shalt  }
0x55: {  	_ =	shalt  }
0x56: {  	_ =	shalt  }
0x57: {  	_ =	shalt  }
0x58: {  	_ =	shalt  }
0x59: {  	_ =	shalt  }
0x5a: {  	_ =	shalt  }
0x5b: {  	_ =	shalt  }
0x5c: {  	_ =	shalt  }
0x5d: {  	_ =	shalt  }
0x5e: {  	_ =	shalt  }
0x5f: {  	_ =	shalt  }
0x60: {  	_ =	shalt  }
0x61: {  	_ =	shalt  }
0x62: {  	_ =	shalt  }
0x63: {  	_ =	shalt  }
0x64: {  	_ =	shalt  }
0x65: {  	_ =	shalt  }
0x66: {  	_ =	shalt  }
0x67: {  	_ =	shalt  }
0x68: {  	_ =	shalt  }
0x69: {  	_ =	shalt  }
0x6a: {  	_ =	shalt  }
0x6b: {  	_ =	shalt  }
0x6c: {  	_ =	shalt  }
0x6d: {  	_ =	shalt  }
0x6e: {  	_ =	shalt  }
0x6f: {  	_ =	shalt  }
0x70: {  	_ =	shalt  }
0x71: {  	_ =	shalt  }
0x72: {  	_ =	shalt  }
0x73: {  	_ =	shalt  }
0x74: {  	_ =	shalt  }
0x75: {  	_ =	shalt  }
0x76: {  	_ =	shalt  }
0x77: {  	_ =	shalt  }
0x78: {  	_ =	shalt  }
0x79: {  	_ =	shalt  }
0x7a: {  	_ =	shalt  }
0x7b: {  	_ =	shalt  }
0x7c: {  	_ =	shalt  }
0x7d: {  	_ =	shalt  }
0x7e: {  	_ =	shalt  }
0x7f: {  	_ =	shalt  }
0x80: {  	_ =	shalt  }
0x81: {  	_ =	shalt  }
0x82: {  	_ =	shalt  }
0x83: {  	_ =	shalt  }
0x84: {  	_ =	shalt  }
0x85: {  	_ =	shalt  }
0x86: {  	_ =	shalt  }
0x87: {  	_ =	shalt  }
.Lfunc_end0:
.L_simem_size_0:
called_computation_lowered:
.L_overlay_start_0:
0x88: {  	s2 =	sld [smem:$0x3FD9]  }
0x89: {  	s3 =	sld [smem:$0x3FFE];
	_ =	sdelay $0x1  }
0x8a: {  	s1 =	srdreg.scid  }
0x8b: {  	s0 =	sand.u32 $0x1, s1  }
0x8c: {  	s17 =	sshll.u32 s0, $0xA;
	s2 =	sadd.s32 s3, s2  }
0x8d: {  	s2 =	sadd.s32 s2, s17  }
0x8e: {  	[smem:$0x3FC4] =	sst s2  }
0x8f: {  	_ = 	snop  }
0x90: {  	s2 =	sld [smem:$0x3FC9]  }
0x91: {  	s18 =	sld [smem:$0x3FC8]  }
0x92: {  	s4 =	sld [smem:$0x3FD0];
	(tm) =	ssettm $0x1  }
0x93: {  	s5 =	sld [smem:$0x3FFB];
	_ =	sdelay $0x3  }
0x94: {  	_ =	strace s5  }
0x95: {  	s5 =	sld [smem:$0x3FFC];
	_ =	sdelay $0x3  }
0x96: {  	_ =	strace s5  }
0x97: {  	s5 =	sld [smem:$0x3FFD];
	_ =	sdelay $0x3  }
0x98: {  	_ =	strace s5  }
0x99: {  	_ =	strace $0x8FFFFFFF  }
0x9a: {  	s19 =	sld [smem:$0x3FDB];
	_ =	sdelay $0x1  }
0x9b: {  	s6 =	simm.s32 $_scs_section_size  }
0x9c: {  	s7 =	simm.s32 $_size__tile_overlayer_lowered;
	s8 =	simm.s32 $_tile_overlayer_lowered  }
0x9d: {  	s22 =	simm.s32 $0x1BFF;
	s21 =	sshll.u32 s8, $0x1;
	s5 =	sadd.s32 s6, s19  }
0x9e: {  	s9 =	simm.s32 $0x0;
	s20 =	sshll.u32 s7, $0x1;
	s7 =	sadd.s32 s21, s5  }
0x9f: {  	[timem:s9], [sflag:s22] =	dma.local [hbm:s7], s20  }
0xa0: {  	_ =	swait.ge [sflag:s22], s20  }
0xa1: {  	s6 =	ssub.s32 $0x0, s20;
	[sflag:s22] =	ssyncset.done $0x0  }
0xa2: {  	[sflag:s22] =	ssyncadd.s32 s6;
	_ =	sdelay $0x1  }
0xa3: {  	s23 =	simm.s32 $0x1B8B  }
0xa4: {  	_ =	swait.ge [sflag:s23], $0x1  }
0xa5: {  	[sflag:s23] =	ssyncset.done $0x0  }
0xa6: {  	s25 =	simm.s32 $0x1B8E;
	s24 =	sld [smem:$0x3FFE];
	[sflag:s23] =	ssyncadd.s32 $0xFFFFFFFF  }
0xa7: {  	s26 =	simm.s32 $execute0_lowered;
	[smem:$0x3FD2] =	sst s25  }
0xa8: {  	s7 =	sshll.u32 s26, $0x1;
	_ =	strace $0x80000046;
	[dreg:$0x1] =	wrdreg $0xFFFFFFFF  }
0xa9: {  	s28 =	simm.s32 $_size_execute0_lowered;
	s5 =	sadd.s32 s5, s7;
	[dreg:$0x0] =	wrdreg $0x0  }
0xaa: {  	s7 =	sshll.u32 s28, $0x1;
	[dreg:$0x2] =	wrdreg s5  }
0xab: {  	[dreg:$0x3] =	wrdreg s7  }
0xac: {  	[dreg:$0x4] =	wrdreg $0xC0  }
0xad: {  	_ =	task [dreg:s9], $0x5FFFF  }
0xae: {  	[dreg:$0x1] =	wrdreg $0xFFFFFFFF  }
0xaf: {  	[dreg:$0x0] =	wrdreg $0x60  }
0xb0: {  	[dreg:$0x2] =	wrdreg s2  }
0xb1: {  	[dreg:$0x3] =	wrdreg s18  }
0xb2: {  	[dreg:$0x4] =	wrdreg s24  }
0xb3: {  	[dreg:$0x5] =	wrdreg s4  }
0xb4: {  	[dreg:$0x6] =	wrdreg $0x9  }
0xb5: {  	_ =	task.clear_ibuf [dreg:s9], $0x7FFFF;
	_ =	strace $0x90000046  }
0xb6: {  	s29 =	simm.s32 $0x9;
	_ =	strace $0x80000048  }
0xb7: {  	_ =	swait.ge [sflag:s29], $0x1  }
0xb8: {  	[sflag:s29] =	ssyncadd.s32 $0xFFFFFFFF  }
0xb9: {  	_ =	strace $0x90000048  }
0xba: {  	_ =	sfence  }
0xbb: {  	s30 =	sld [smem:$0x0];
	_ =	sdelay $0x2  }
0xbc: {  	s31 =	sshll.u32 s1, $0xD;
	s1 =	sshrl.u32 s1, $0x2  }
0xbd: {  	s3 =	sand.u32 $0x4000, s31;
	s1 =	sadd.s32 s1, s30  }
0xbe: {  	s0 =	sor.u32 s3, s0;
	s1 =	sshll.u32 s1, $0x11  }
0xbf: {  	s0 =	sor.u32 s1, s0  }
0xc0: {  	s0 =	sadd.s32 $0x8F2B, s0  }
0xc1: {  	[sflag:s0] =	ssyncadd.remote.s32 $0x1  }
0xc2: {  	_ =	sfence.sel $0xFFFF  }
0xc3: {  	[dreg:$0x0] =	wrdreg $0xFFFFFFFF;
	(pc) =	sbr.abs _section_cstart, $3  }
0xc4: {  	[dreg:$0x1] =	wrdreg $0xFFFFFFFF  }
0xc5: {  	_ =	task.clear_ibuf [dreg:s9], $0x2FFFF;
	_ =	strace $0x9FFFFFFF  }
0xc6: {  	(tm) =	ssettm $0x7FFFFFFF  }
0xc7: {  	_ =	shalt  }
tec
execute0_lowered:
.L_overlay_start_1:
0x0: {  	(tag) =	ssettag $0x1  }
0x1: {  	s5 =	rddreg [dreg:$0x0]  }
0x2: {  	s6 =	rddreg [dreg:$0x1]  }
0x3: {  	s1 =	rddreg [dreg:$0x2]  }
0x4: {  	s7 =	rddreg [dreg:$0x3]  }
0x5: {  	s0 =	rddreg [dreg:$0x4];
	s2 =	simm.s32 $0x0  }
0x6: {  	s3 =	srdreg.scid;
	s12 =	simm.s32 $0x400;
	s13 =	simm.s32 $0x600  }
0x7: {  	s14 =	simm.s32 $0x800;
	s15 =	simm.s32 $0x3;
	s16 =	simm.s32 $0x0  }
0x8: {  	[smem:$0x7FF] =	sst s2;
	s4 =	sand.u32 $0x1, s3;
	s3 =	stileid.u32  }
0x9: {  	_ =	strace $0x80000047;
	s8 =	ssub.s32 $0x2, s4;
	s10 =	sshll.u32 s3, $0x7  }
0xa: {  	s11 =	sshll.u32 s4, $0x6;
	s4 =	sadd.s32 $0x3200, s1;
	s9 =	sshrl.u32 s8, $0x1  }
0xb: {  	s31 =	sor.u32 s11, s10;
	s10 =	simm.s32 $0x1;
	s11 =	simm.s32 $0x2  }
0xc: {  	s8 =	ssub.s32 s8, s9;
	s5 =	sadd.s32 s5, s31;
	s6 =	sadd.s32 s6, s31  }
0xd: {  	s7 =	sadd.s32 s7, s31;
	s9 =	simm.s32 $0x200;
	s8 =	smax.u32 s8, $0x1  }
.LBB2_1:
0xe: {  	[tilespmem:s2], [sflag:$0x1] =	stream.linear.gather [hbm4b:s5+s2], $0x200, $0x38;
	[tilespmem:$0xA00] =	vst v63  }
0xf: {  	_ = 	snop  }
0x10: {  	[tilespmem:s9], [sflag:$0x2] =	stream.linear.gather [hbm4b:s6+s2], $0x200, $0x38;
	[tilespmem:$0xA00] =	vst v63  }
0x11: {  	_ =	swait.ge [sflag:s10], $0x200  }
0x12: {  	[sflag:s10] =	ssyncset.done $0x0  }
0x13: {  	[sflag:s10] =	ssyncadd.s32 $0xFFFFFE00  }
0x14: {  	_ =	swait.ge [sflag:s11], $0x200  }
0x15: {  	[sflag:s11] =	ssyncset.done $0x0  }
0x16: {  	[sflag:s11] =	ssyncadd.s32 $0xFFFFFE00  }
0x17: {  	[tilespmem:s12], [sflag:$0x1] =	stream.indirect.gather [hbm4b:s4+s9], $0x1, s2, s9, $0xb8;
	[tilespmem:$0xA00] =	vst v63  }
0x18: {  	_ = 	snop  }
0x19: {  	[tilespmem:s13], [sflag:$0x2] =	stream.indirect.gather [hbm4b:s1+s9], $0x1, s9, s9, $0xb8;
	[tilespmem:$0xA00] =	vst v63  }
0x1a: {  	_ =	swait.ge [sflag:s10], $0x200  }
0x1b: {  	[sflag:s10] =	ssyncset.done $0x0  }
0x1c: {  	[sflag:s10] =	ssyncadd.s32 $0xFFFFFE00  }
0x1d: {  	_ =	swait.ge [sflag:s11], $0x200  }
0x1e: {  	[sflag:s11] =	ssyncset.done $0x0  }
0x1f: {  	s19 =	simm.s32 $0x420;
	[sflag:s11] =	ssyncadd.s32 $0xFFFFFE00  }
0x20: {  	s17 =	simm.s32 $0x620;
	v0 =	vld [tilespmem:s19+$0xFFFFFFE0]  }
0x21: {  	v1 =	vld [tilespmem:s17+$0xFFFFFFE0];
	_ =	sdelay $0x4  }
0x22: {  	v0 =	vsub.f32 v1, v0;
	_ =	sdelay $0x1  }
0x23: {  	v0 =	vadd.f32 $0.0e+00, v0;
	_ =	sdelay $0x1  }
0x24: {  	v0 =	vmul.f32 $1.442695020e+00, v0;
	_ =	sdelay $0x1  }
0x25: {  	(erf) = vpow2.f32 v0;
	_ =	sdelay $0x8  }
0x26: {  	v0 =	vpop (erf)  }
0x27: {  	v0 =	vadd.f32 $1.000000000e+00, v0;
	_ =	sdelay $0x1  }
0x28: {  	(erf) = vrcp.f32 v0;
	_ =	sdelay $0x8  }
0x29: {  	s18 =	simm.s32 $0x820;
	v0 =	vpop (erf)  }
0x2a: {  	[tilespmem:s18+$0xFFFFFFE0] =	vst v0  }
0x2b: {  	v0 =	vld [tilespmem:s19+$0xFFFFFFF0]  }
0x2c: {  	v61 =	vld [tilespmem:s17+$0xFFFFFFF0];
	_ =	sdelay $0x4  }
0x2d: {  	v0 =	vsub.f32 v61, v0;
	_ =	sdelay $0x1  }
0x2e: {  	v0 =	vadd.f32 $0.0e+00, v0;
	_ =	sdelay $0x1  }
0x2f: {  	v0 =	vmul.f32 $1.442695020e+00, v0;
	_ =	sdelay $0x1  }
0x30: {  	(erf) = vpow2.f32 v0;
	_ =	sdelay $0x8  }
0x31: {  	v0 =	vpop (erf)  }
0x32: {  	v0 =	vadd.f32 $1.000000000e+00, v0;
	_ =	sdelay $0x1  }
0x33: {  	(erf) = vrcp.f32 v0;
	_ =	sdelay $0x8  }
0x34: {  	v0 =	vpop (erf)  }
0x35: {  	[tilespmem:s18+$0xFFFFFFF0] =	vst v0  }
0x36: {  	v0 =	vld [tilespmem:s19+$0x0]  }
0x37: {  	v62 =	vld [tilespmem:s17+$0x0];
	_ =	sdelay $0x4  }
0x38: {  	v0 =	vsub.f32 v62, v0;
	_ =	sdelay $0x1  }
0x39: {  	v0 =	vadd.f32 $0.0e+00, v0;
	_ =	sdelay $0x1  }
0x3a: {  	v0 =	vmul.f32 $1.442695020e+00, v0;
	_ =	sdelay $0x1  }
0x3b: {  	(erf) = vpow2.f32 v0;
	_ =	sdelay $0x8  }
0x3c: {  	v0 =	vpop (erf)  }
0x3d: {  	v0 =	vadd.f32 $1.000000000e+00, v0;
	_ =	sdelay $0x1  }
0x3e: {  	(erf) = vrcp.f32 v0;
	_ =	sdelay $0x8  }
0x3f: {  	v0 =	vpop (erf)  }
0x40: {  	[tilespmem:s18+$0x0] =	vst v0  }
0x41: {  	v0 =	vld [tilespmem:s19+$0x10]  }
0x42: {  	v63 =	vld [tilespmem:s17+$0x10];
	_ =	sdelay $0x4  }
0x43: {  	v0 =	vsub.f32 v63, v0;
	_ =	sdelay $0x1  }
0x44: {  	v0 =	vadd.f32 $0.0e+00, v0;
	_ =	sdelay $0x1  }
0x45: {  	v0 =	vmul.f32 $1.442695020e+00, v0;
	_ =	sdelay $0x1  }
0x46: {  	(erf) = vpow2.f32 v0;
	_ =	sdelay $0x8  }
0x47: {  	v0 =	vpop (erf)  }
0x48: {  	v0 =	vadd.f32 $1.000000000e+00, v0;
	_ =	sdelay $0x1  }
0x49: {  	(erf) = vrcp.f32 v0;
	_ =	sdelay $0x5  }
0x4a: {  	s21 =	simm.s32 $0x460;
	s20 =	simm.s32 $0x820;
	s19 =	simm.s32 $0x0  }
.LBB2_2:
0x4b: {  	s19 =	sadd.s32 $0x4, s19;
	s18 =	sadd.s32 $0x40, s18;
	s17 =	sadd.s32 $0x40, s17  }
0x4c: {  	p0 =	slt.u32 s19, $0x1C  }
0x4d: {  	v0 =	vpop (erf)  }
0x4e: {  	[tilespmem:s20+$0x10] =	vst v0;
	s20 =	smov.u32 s18  }
0x4f: {  	v0 =	vld [tilespmem:s21+$0xFFFFFFE0]  }
0x50: {  	v1 =	vld [tilespmem:s17+$0xFFFFFFE0];
	_ =	sdelay $0x4  }
0x51: {  	v0 =	vsub.f32 v1, v0;
	_ =	sdelay $0x1  }
0x52: {  	v0 =	vadd.f32 $0.0e+00, v0;
	_ =	sdelay $0x1  }
0x53: {  	v0 =	vmul.f32 $1.442695020e+00, v0;
	_ =	sdelay $0x1  }
0x54: {  	(erf) = vpow2.f32 v0;
	_ =	sdelay $0x8  }
0x55: {  	v0 =	vpop (erf)  }
0x56: {  	v0 =	vadd.f32 $1.000000000e+00, v0;
	_ =	sdelay $0x1  }
0x57: {  	(erf) = vrcp.f32 v0;
	_ =	sdelay $0x8  }
0x58: {  	v0 =	vpop (erf)  }
0x59: {  	[tilespmem:s18+$0xFFFFFFE0] =	vst v0  }
0x5a: {  	v0 =	vld [tilespmem:s21+$0xFFFFFFF0]  }
0x5b: {  	v1 =	vld [tilespmem:s17+$0xFFFFFFF0];
	_ =	sdelay $0x4  }
0x5c: {  	v0 =	vsub.f32 v1, v0;
	_ =	sdelay $0x1  }
0x5d: {  	v0 =	vadd.f32 $0.0e+00, v0;
	_ =	sdelay $0x1  }
0x5e: {  	v0 =	vmul.f32 $1.442695020e+00, v0;
	_ =	sdelay $0x1  }
0x5f: {  	(erf) = vpow2.f32 v0;
	_ =	sdelay $0x8  }
0x60: {  	v0 =	vpop (erf)  }
0x61: {  	v0 =	vadd.f32 $1.000000000e+00, v0;
	_ =	sdelay $0x1  }
0x62: {  	(erf) = vrcp.f32 v0;
	_ =	sdelay $0x8  }
0x63: {  	v0 =	vpop (erf)  }
0x64: {  	[tilespmem:s18+$0xFFFFFFF0] =	vst v0  }
0x65: {  	v0 =	vld [tilespmem:s21+$0x0]  }
0x66: {  	v1 =	vld [tilespmem:s17+$0x0];
	_ =	sdelay $0x4  }
0x67: {  	v0 =	vsub.f32 v1, v0;
	_ =	sdelay $0x1  }
0x68: {  	v0 =	vadd.f32 $0.0e+00, v0;
	_ =	sdelay $0x1  }
0x69: {  	v0 =	vmul.f32 $1.442695020e+00, v0;
	_ =	sdelay $0x1  }
0x6a: {  	(erf) = vpow2.f32 v0;
	_ =	sdelay $0x8  }
0x6b: {  	v0 =	vpop (erf)  }
0x6c: {  	v0 =	vadd.f32 $1.000000000e+00, v0;
	_ =	sdelay $0x1  }
0x6d: {  	(erf) = vrcp.f32 v0;
	_ =	sdelay $0x8  }
0x6e: {  	v0 =	vpop (erf)  }
0x6f: {  	[tilespmem:s18+$0x0] =	vst v0  }
0x70: {  	v0 =	vld [tilespmem:s21+$0x10]  }
0x71: {  	v1 =	vld [tilespmem:s17+$0x10];
	_ =	sdelay $0x4  }
0x72: {  	v0 =	vsub.f32 v1, v0;
	_ =	sdelay $0x1  }
0x73: {  	v0 =	vadd.f32 $0.0e+00, v0;
	_ =	sdelay $0x1  }
0x74: {  	v0 =	vmul.f32 $1.442695020e+00, v0;
	_ =	sdelay $0x1  }
0x75: {  	(erf) = vpow2.f32 v0;
	_ =	sdelay $0x8  }
0x76: {  	v0 =	vpop (erf)  }
0x77: {  	v0 =	vadd.f32 $1.000000000e+00, v0;
	_ =	sdelay $0x1  }
0x78: {  	(erf) = vrcp.f32 v0;
	_ =	sdelay $0x1  }
.Ltmp0:
0x79: {  	(pc) =	sbr.rel @p0 .LBB2_2-.Ltmp0, $2  }
0x7a: {  	_ =	sdelay $0x2  }
0x7b: {  	s21 =	sadd.s32 $0x40, s21  }
0x7c: {  	_ = 	snop  }
0x7d: {  	s16 =	sadd.s32 $0x1, s16  }
0x7e: {  	p0 =	sne.s32 s16, s8;
	v0 =	vpop (erf)  }
.Ltmp1:
0x7f: {  	[tilespmem:s20+$0x10] =	vst v0;
	(pc) =	sbr.rel @p0 .LBB2_1-.Ltmp1, $4  }
0x80: {  	[hbm4b:s7+s2] =	stream.linear.scatter [tilespmem:s14], [sflag:$0x3], $0x200, $0x38;
	[tilespmem:$0xA00] =	vst v63  }
0x81: {  	_ =	swait.ge [sflag:s15], $0x200  }
0x82: {  	[sflag:s15] =	ssyncset.done $0x0  }
0x83: {  	[sflag:s15] =	ssyncadd.s32 $0xFFFFFE00  }
0x84: {  	_ =	sfence.sel $0x180000  }
0x85: {  	[bflag:$0x0] =	sbarrier.arrive $0xFFFF  }
0x86: {  	p0 =	sne.s32 s3, $0x0;
	_ =	strace $0x90000047  }
0x87: {  	s0 =	sadd.s32 @!p0 $0x100000, s0;
	[bflag:$0x2] =	sbarrier.arrive $0xFFFF  }
0x88: {  	[sflag:s0] =	ssyncadd.tile.s32 @!p0 $0x1;
	_ =	shalt  }
.Lfunc_end2:
_tile_overlayer_lowered:
.L_overlay_start_2:
0x89: {  	(tag) =	ssettag $0x2  }
0x8a: {  	s0 =	rddreg [dreg:$0x0];
	s2 =	stileid.u32  }
0x8b: {  	s1 =	rddreg [dreg:$0x1];
	p0 =	sne.s32 s2, $0x0  }
0x8c: {  	s3 =	rddreg [dreg:$0x2];
	[bflag:$0x3] =	sbarrier.arrive $0xFFFF;
	s2 =	simm.s32 @!p0 $0x1C03  }
0x8d: {  	[timem:s3], [sflag:s2] =	dma.local @!p0 [hbm:s0], s1  }
0x8e: {  	s0 =	simm.s32 @!p0 $0x3  }
0x8f: {  	_ =	swait.ge @!p0 [sflag:s0], s1  }
0x90: {  	s1 =	ssub.s32 @!p0 $0x0, s1;
	[sflag:s0] =	ssyncset.done @!p0 $0x0  }
0x91: {  	[sflag:s0] =	ssyncadd.s32 @!p0 s1  }
0x92: {  	[bflag:$0x3] =	sbarrier.arrive $0xFFFF  }
0x93: {  	_ =	shalt  }

</sc_bundles>
